<compile_context>
chip_gen: v7x
topology: tpu7x:2x2x1
jax: 0.10.2.dev20260603
libtpu: 0.0.44.dev20260713+nightly
codegen_flags: <defaults>
</compile_context>

<pallas_src>
import functools

import jax
import jax.numpy as jnp
from jax import lax
from jax.experimental import pallas as pl
from jax.experimental.pallas import tpu as pltpu
from jax.experimental.pallas import tpu_sc as plsc

_NC = 2


def _tc_gather_body(c0_ref, rem_ref, pt_ref, ut_ref, x_ref, win, sem):
    n_idx = x_ref.shape[0]
    half = n_idx // 2

    def issue(i, tbl):
        c0 = pl.multiple_of(c0_ref[i], 128)
        pltpu.make_async_copy(
            tbl.at[:, pl.ds(c0, 128)], win.at[i], sem).start()

    lax.fori_loop(0, half, lambda i, _: (issue(i, pt_ref), 0)[1], 0)
    lax.fori_loop(half, n_idx, lambda i, _: (issue(i, ut_ref), 0)[1], 0)

    def drain(i, _):
        pltpu.make_async_copy(
            pt_ref.at[:, pl.ds(0, 128)], win.at[i], sem).wait()
        return 0

    lax.fori_loop(0, n_idx, drain, 0)
    oh = (lax.broadcasted_iota(jnp.int32, (n_idx, 128), 1)
          == rem_ref[...]).astype(jnp.float32)
    x_ref[...] = jnp.sum(win[...] * oh[:, None, :], axis=2)


def _tc_gather(c0_all, rem_all, pt_t, ut_t, D):
    n_idx = c0_all.shape[0]
    return pl.pallas_call(
        _tc_gather_body,
        in_specs=[
            pl.BlockSpec(memory_space=pltpu.SMEM),
            pl.BlockSpec(memory_space=pltpu.VMEM),
            pl.BlockSpec(memory_space=pl.ANY),
            pl.BlockSpec(memory_space=pl.ANY),
        ],
        out_shape=jax.ShapeDtypeStruct((n_idx, D), jnp.float32),
        scratch_shapes=[
            pltpu.VMEM((n_idx, D, 128), jnp.float32),
            pltpu.SemaphoreType.DMA,
        ],
    )(c0_all, rem_all, pt_t, ut_t)


def _sc_calendar_gather(idxs, tables, B, D):
    n_feat = len(tables)
    mesh = plsc.ScalarSubcoreMesh(axis_name="c", num_cores=_NC)

    @functools.partial(
        pl.kernel,
        out_type=jax.ShapeDtypeStruct((n_feat * B, D), jnp.float32),
        mesh=mesh,
        scratch_types=[
            pltpu.SMEM((B,), jnp.int32),
            pltpu.SemaphoreType.DMA,
        ],
    )
    def cal_kernel(*refs):
        idx_refs = refs[:n_feat]
        tbl_refs = refs[n_feat:2 * n_feat]
        out_hbm = refs[2 * n_feat]
        idx_s, sem = refs[2 * n_feat + 1:]
        core = lax.axis_index("c")
        for f in range(n_feat):
            tbl = tbl_refs[f]

            @pl.when(core == f % _NC)
            def _(f=f, tbl=tbl):
                pltpu.sync_copy(idx_refs[f], idx_s)

                @pl.loop(0, B)
                def _(i):
                    pltpu.async_copy(
                        tbl.at[pl.ds(idx_s[i], 1)],
                        out_hbm.at[pl.ds(f * B + i, 1)], sem)

                pltpu.make_async_copy(
                    tbl.at[pl.ds(0, B)] if tbl.shape[0] >= B
                    else out_hbm.at[pl.ds(0, B)],
                    out_hbm.at[pl.ds(f * B, B)], sem).wait()

    return cal_kernel(*idxs, *tables)


def _mlp_body(xpu_ref, xcal_ref, tp_tail_ref, tu_tail_ref, itp_ref, itu_ref,
              w1_ref, b1_ref, w2_ref, b2_ref, w3_ref, b3_ref,
              pid_ref, uid_ref, ww_ref, wb_ref, d_ref, wm_ref):
    def tiny_lookup(tbl_ref, idx):
        V = tbl_ref.shape[0]
        oh = (lax.broadcasted_iota(jnp.int32, (1, V), 1)
              == idx).astype(jnp.bfloat16)
        return jnp.dot(oh, tbl_ref[...].astype(jnp.bfloat16),
                       preferred_element_type=jnp.float32)

    B = itp_ref.shape[0]
    xpu = xpu_ref[...]
    x_p = jnp.where(itp_ref[...] >= 0, tiny_lookup(tp_tail_ref, itp_ref[...]),
                    xpu[:B])
    x_u = jnp.where(itu_ref[...] >= 0, tiny_lookup(tu_tail_ref, itu_ref[...]),
                    xpu[B:])
    x = jnp.concatenate([x_p, x_u, xcal_ref[...]],
                        axis=0).astype(jnp.bfloat16)

    nt = (((1,), (1,)), ((), ()))
    h = lax.dot_general(x, w1_ref[...].astype(jnp.bfloat16), nt,
                        preferred_element_type=jnp.float32)
    h = jnp.maximum(h + b1_ref[...], 0.0).astype(jnp.bfloat16)
    h = lax.dot_general(h, w2_ref[...].astype(jnp.bfloat16), nt,
                        preferred_element_type=jnp.float32)
    h = jnp.maximum(h + b2_ref[...], 0.0).astype(jnp.bfloat16)
    d = lax.dot_general(h, w3_ref[...].astype(jnp.bfloat16), nt,
                        preferred_element_type=jnp.float32)
    d_ref[...] = 0.5 * (d + b3_ref[...])

    ww = ww_ref[...].astype(jnp.bfloat16).astype(jnp.float32)
    pb = pid_ref[...].astype(jnp.bfloat16).astype(jnp.float32)
    ub = uid_ref[...].astype(jnp.bfloat16).astype(jnp.float32)
    wcol = pb * ww[0:1, 0:1] + ub * ww[0:1, 1:2] + wb_ref[...]
    wm_ref[...] = 0.5 * jnp.broadcast_to(wcol, wm_ref.shape)


def _writer_body(d_ref, wm_ref, o_ref):
    t = d_ref[...][:, None, :] + wm_ref[...][None, :, :]
    o_ref[...] = 0.5 * jnp.tanh(t) + 0.5


def kernel(product_id, user_id, year, month, day_of_week, hour,
           product_table, user_table, year_table, month_table, dow_table,
           hour_table, wide_W, wide_b, W1, b1, W2, b2, W3, b3):
    B = product_id.shape[0]
    D = product_table.shape[1]

    pid = product_id.reshape(-1).astype(jnp.int32)
    uid = user_id.reshape(-1).astype(jnp.int32)
    VP, VU = product_table.shape[0], user_table.shape[0]
    FP, FU = (VP // 128) * 128, (VU // 128) * 128
    c0_p = jnp.minimum(pid & ~127, FP - 128)
    c0_u = jnp.minimum(uid & ~127, FU - 128)
    rem_all = jnp.concatenate([jnp.clip(pid - c0_p, 0, 127),
                               jnp.clip(uid - c0_u, 0, 127)]).reshape(-1, 1)
    c0_all = jnp.concatenate([c0_p, c0_u])
    it_p = (pid - FP).reshape(B, 1)
    it_u = (uid - FU).reshape(B, 1)

    x_pu = _tc_gather(c0_all, rem_all, product_table.T, user_table.T, D)

    cal_idx = [a.reshape(-1).astype(jnp.int32)
               for a in (year, month, day_of_week, hour)]
    x_cal = _sc_calendar_gather(
        cal_idx, (year_table, month_table, dow_table, hour_table), B, D)

    n_out = W3.shape[0]
    d2, wm = pl.pallas_call(
        _mlp_body,
        out_shape=(
            jax.ShapeDtypeStruct((6 * B, n_out), jnp.float32),
            jax.ShapeDtypeStruct((B, n_out), jnp.float32),
        ),
    )(x_pu, x_cal, product_table[FP:], user_table[FU:], it_p, it_u,
      W1, b1.reshape(1, -1), W2, b2.reshape(1, -1), W3, b3.reshape(1, -1),
      product_id.astype(jnp.float32), user_id.astype(jnp.float32),
      wide_W, wide_b.reshape(1, 1))

    BI = 48
    out = pl.pallas_call(
        _writer_body,
        grid=(6 * B // BI,),
        in_specs=[
            pl.BlockSpec((BI, n_out), lambda i: (i, 0)),
            pl.BlockSpec((B, n_out), lambda i: (0, 0)),
        ],
        out_specs=pl.BlockSpec((BI, B, n_out), lambda i: (i, 0, 0)),
        out_shape=jax.ShapeDtypeStruct((6 * B, B, n_out), jnp.float32),
    )(d2, wm)
    return out

# --- scband reference (transcript-rebuilt; emitter-appended) ---
"""Pipeline reference for scband-wide-deep-6588479832087 (READ-ONLY COPY).

The authoritative reference and input builder live on the scoring server;
editing this copy changes nothing except your own understanding.
"""

import jax, jax.numpy as jnp
import numpy as np

B = 256
D = 40


def setup_inputs(seed: int = 0) -> dict:
    key = jax.random.key(seed)
    ks = jax.random.split(key, 20)
    inp = {}
    inp["product_id"] = jax.random.randint(ks[0], (B, 1), 0, 1000000, dtype=jnp.int32).astype(jnp.int64) if False else jax.random.randint(ks[0], (B, 1), 0, 1000000)
    inp["user_id"] = jax.random.randint(ks[1], (B, 1), 0, 100000)
    inp["year"] = jax.random.randint(ks[2], (B, 1), 0, 2)
    inp["month"] = jax.random.randint(ks[3], (B, 1), 0, 12)
    inp["day_of_week"] = jax.random.randint(ks[4], (B, 1), 0, 7)
    inp["hour"] = jax.random.randint(ks[5], (B, 1), 0, 24)
    inp["product_table"] = jax.random.normal(ks[6], (1000000, D), dtype=jnp.float32) * 0.1
    inp["user_table"] = jax.random.normal(ks[7], (100000, D), dtype=jnp.float32) * 0.1
    inp["year_table"] = jax.random.normal(ks[8], (2, D), dtype=jnp.float32) * 0.1
    inp["month_table"] = jax.random.normal(ks[9], (12, D), dtype=jnp.float32) * 0.1
    inp["dow_table"] = jax.random.normal(ks[10], (7, D), dtype=jnp.float32) * 0.1
    inp["hour_table"] = jax.random.normal(ks[11], (24, D), dtype=jnp.float32) * 0.1
    inp["wide_W"] = jax.random.normal(ks[12], (1, 2), dtype=jnp.float32) * 0.001
    inp["wide_b"] = jnp.zeros((1,), dtype=jnp.float32)
    inp["W1"] = jax.random.normal(ks[13], (1024, D), dtype=jnp.float32) * 0.05
    inp["b1"] = jnp.zeros((1024,), dtype=jnp.float32)
    inp["W2"] = jax.random.normal(ks[14], (512, 1024), dtype=jnp.float32) * 0.03
    inp["b2"] = jnp.zeros((512,), dtype=jnp.float32)
    inp["W3"] = jax.random.normal(ks[15], (256, 512), dtype=jnp.float32) * 0.03
    inp["b3"] = jnp.zeros((256,), dtype=jnp.float32)
    return inp


def reference(product_id, user_id, year, month, day_of_week, hour,
              product_table, user_table, year_table, month_table, dow_table, hour_table,
              wide_W, wide_b, W1, b1, W2, b2, W3, b3):
    # embedding lookups: idx [B,1] -> [B,1,D]
    pe = jnp.take(product_table, product_id, axis=0)
    ue = jnp.take(user_table, user_id, axis=0)
    ye = jnp.take(year_table, year, axis=0)
    me = jnp.take(month_table, month, axis=0)
    de = jnp.take(dow_table, day_of_week, axis=0)
    he = jnp.take(hour_table, hour, axis=0)
    # wide branch: raw ids cast to float, cat on dim=1 -> [B,2] -> Linear(2,1) -> [B,1]
    wide_in = jnp.concatenate([product_id.astype(jnp.float32), user_id.astype(jnp.float32)], axis=1)
    wide_output = wide_in @ wide_W.T + wide_b
    # deep branch: torch.cat with default dim=0 -> [6B,1,D]
    deep_input = jnp.concatenate((pe, ue, ye, me, de, he), axis=0)
    h = jax.nn.relu(deep_input @ W1.T + b1)
    h = jax.nn.relu(h @ W2.T + b2)
    deep_output = h @ W3.T + b3  # [6B,1,256]
    # broadcast add: [6B,1,256] + [B,1] -> [6B,B,256] (faithful to torch semantics)
    return jax.nn.sigmoid(deep_output + wide_output)

if __name__ == "__main__":
    import jax
    _d = setup_inputs()
    print(jax.jit(kernel)(*tuple(_d.values())))

</pallas_src>

<mosaic_0001>
#map = affine_map<(d0) -> (0)>
#map1 = affine_map<(d0) -> (0, 0)>
module attributes {stable_mosaic.version = 14 : i64} {
  func.func @cal_kernel(%arg0: i32, %arg1: memref<256xi32, #tpu.memory_space<hbm>>, %arg2: memref<256xi32, #tpu.memory_space<hbm>>, %arg3: memref<256xi32, #tpu.memory_space<hbm>>, %arg4: memref<256xi32, #tpu.memory_space<hbm>>, %arg5: memref<2x40xf32, #tpu.memory_space<hbm>>, %arg6: memref<12x40xf32, #tpu.memory_space<hbm>>, %arg7: memref<7x40xf32, #tpu.memory_space<hbm>>, %arg8: memref<24x40xf32, #tpu.memory_space<hbm>>, %arg9: memref<1024x40xf32, #tpu.memory_space<hbm>>, %arg10: memref<256xi32, #tpu.memory_space<smem>>, %arg11: memref<!tpu.dma_semaphore, #tpu.memory_space<semaphore_mem>>) attributes {dimension_semantics = [#tpu.dimension_semantics<core_parallel>], iteration_bounds = array<i64: 2>, scalar_prefetch = 0 : i64, scratch_operands = 2 : i64, tpu.core_type = #tpu.core_type<sc_scalar_subcore>, window_params = [{transform_indices = #map}, {transform_indices = #map}, {transform_indices = #map}, {transform_indices = #map}, {transform_indices = #map1}, {transform_indices = #map1}, {transform_indices = #map1}, {transform_indices = #map1}, {transform_indices = #map1}]} {
    %eq3A = arith.constant 0 : i32
    %eq3A_0 = arith.cmpi eq, %arg0, %eq3A : i32
    %convert_element_type3A = arith.extui %eq3A_0 : i1 to i32
    %cond3A = arith.constant 0 : i32
    %cond3A_1 = arith.cmpi ne, %convert_element_type3A, %cond3A : i32
    scf.if %cond3A_1 {
      "tpu.region"() ({
        %run_scoped3A = tpu.sem_alloc : memref<!tpu.dma_semaphore, #tpu.memory_space<semaphore_mem>>
        tpu.enqueue_dma source(%arg1 : memref<256xi32, #tpu.memory_space<hbm>>) target(%arg10 : memref<256xi32, #tpu.memory_space<smem>>) target_semaphore(%run_scoped3A : memref<!tpu.dma_semaphore, #tpu.memory_space<semaphore_mem>>)
        tpu.wait_dma2 semaphore(%run_scoped3A : memref<!tpu.dma_semaphore, #tpu.memory_space<semaphore_mem>>) src(%arg1 : memref<256xi32, #tpu.memory_space<hbm>>) dst(%arg10 : memref<256xi32, #tpu.memory_space<smem>>)
        tpu.yield
      }) : () -> ()
      %scan3A = arith.constant 0 : i32
      %scan3A_17 = arith.constant 256 : i32
      %scan3A_18 = arith.addi %scan3A, %scan3A_17 : i32
      %scan3A_19 = arith.constant 1 : i32
      scf.for %scan3A_26 = %scan3A to %scan3A_18 step %scan3A_19  : i32 {
        %mul3A = arith.constant 1 : i32
        %mul3A_27 = arith.muli %scan3A_26, %mul3A : i32
        %add3A = arith.constant 0 : i32
        %add3A_28 = arith.addi %add3A, %mul3A_27 : i32
        %get3A = arith.index_cast %add3A_28 : i32 to index
        %get3A_29 = memref.load %arg10[%get3A] : memref<256xi32, #tpu.memory_space<smem>>
        %add3A_30 = arith.constant 0 : i32
        %add3A_31 = arith.addi %add3A_30, %add3A_28 : i32
        %dma_start3A = arith.constant 0 : i32
        %dma_start3A_32 = tpu.memref_slice %arg9[%add3A_31, %dma_start3A] : memref<1024x40xf32, #tpu.memory_space<hbm>> -> memref<1x40xf32, #tpu.memory_space<hbm>>
        %dma_start3A_33 = arith.constant 0 : i32
        %dma_start3A_34 = tpu.memref_slice %arg5[%get3A_29, %dma_start3A_33] : memref<2x40xf32, #tpu.memory_space<hbm>> -> memref<1x40xf32, #tpu.memory_space<hbm>>
        tpu.enqueue_dma source(%dma_start3A_34 : memref<1x40xf32, #tpu.memory_space<hbm>>) target(%dma_start3A_32 : memref<1x40xf32, #tpu.memory_space<hbm>>) target_semaphore(%arg11 : memref<!tpu.dma_semaphore, #tpu.memory_space<semaphore_mem>>)
      }
      %scan3A_20 = arith.constant 256 : i32
      %dma_wait3A = arith.constant 0 : i32
      %dma_wait3A_21 = arith.constant 0 : i32
      %dma_wait3A_22 = tpu.memref_slice %arg9[%dma_wait3A, %dma_wait3A_21] : memref<1024x40xf32, #tpu.memory_space<hbm>> -> memref<256x40xf32, #tpu.memory_space<hbm>>
      %dma_wait3A_23 = arith.constant 0 : i32
      %dma_wait3A_24 = arith.constant 0 : i32
      %dma_wait3A_25 = tpu.memref_slice %arg9[%dma_wait3A_23, %dma_wait3A_24] : memref<1024x40xf32, #tpu.memory_space<hbm>> -> memref<256x40xf32, #tpu.memory_space<hbm>>
      tpu.wait_dma2 semaphore(%arg11 : memref<!tpu.dma_semaphore, #tpu.memory_space<semaphore_mem>>) src(%dma_wait3A_25 : memref<256x40xf32, #tpu.memory_space<hbm>>) dst(%dma_wait3A_22 : memref<256x40xf32, #tpu.memory_space<hbm>>)
    } else {
    }
    %eq3A_2 = arith.constant 1 : i32
    %eq3A_3 = arith.cmpi eq, %arg0, %eq3A_2 : i32
    %convert_element_type3A_4 = arith.extui %eq3A_3 : i1 to i32
    %cond3A_5 = arith.constant 0 : i32
    %cond3A_6 = arith.cmpi ne, %convert_element_type3A_4, %cond3A_5 : i32
    scf.if %cond3A_6 {
      "tpu.region"() ({
        %run_scoped3A = tpu.sem_alloc : memref<!tpu.dma_semaphore, #tpu.memory_space<semaphore_mem>>
        tpu.enqueue_dma source(%arg2 : memref<256xi32, #tpu.memory_space<hbm>>) target(%arg10 : memref<256xi32, #tpu.memory_space<smem>>) target_semaphore(%run_scoped3A : memref<!tpu.dma_semaphore, #tpu.memory_space<semaphore_mem>>)
        tpu.wait_dma2 semaphore(%run_scoped3A : memref<!tpu.dma_semaphore, #tpu.memory_space<semaphore_mem>>) src(%arg2 : memref<256xi32, #tpu.memory_space<hbm>>) dst(%arg10 : memref<256xi32, #tpu.memory_space<smem>>)
        tpu.yield
      }) : () -> ()
      %scan3A = arith.constant 0 : i32
      %scan3A_17 = arith.constant 256 : i32
      %scan3A_18 = arith.addi %scan3A, %scan3A_17 : i32
      %scan3A_19 = arith.constant 1 : i32
      scf.for %scan3A_26 = %scan3A to %scan3A_18 step %scan3A_19  : i32 {
        %mul3A = arith.constant 1 : i32
        %mul3A_27 = arith.muli %scan3A_26, %mul3A : i32
        %add3A = arith.constant 0 : i32
        %add3A_28 = arith.addi %add3A, %mul3A_27 : i32
        %get3A = arith.index_cast %add3A_28 : i32 to index
        %get3A_29 = memref.load %arg10[%get3A] : memref<256xi32, #tpu.memory_space<smem>>
        %add3A_30 = arith.constant 256 : i32
        %add3A_31 = arith.addi %add3A_30, %add3A_28 : i32
        %dma_start3A = arith.constant 0 : i32
        %dma_start3A_32 = tpu.memref_slice %arg9[%add3A_31, %dma_start3A] : memref<1024x40xf32, #tpu.memory_space<hbm>> -> memref<1x40xf32, #tpu.memory_space<hbm>>
        %dma_start3A_33 = arith.constant 0 : i32
        %dma_start3A_34 = tpu.memref_slice %arg6[%get3A_29, %dma_start3A_33] : memref<12x40xf32, #tpu.memory_space<hbm>> -> memref<1x40xf32, #tpu.memory_space<hbm>>
        tpu.enqueue_dma source(%dma_start3A_34 : memref<1x40xf32, #tpu.memory_space<hbm>>) target(%dma_start3A_32 : memref<1x40xf32, #tpu.memory_space<hbm>>) target_semaphore(%arg11 : memref<!tpu.dma_semaphore, #tpu.memory_space<semaphore_mem>>)
      }
      %scan3A_20 = arith.constant 256 : i32
      %dma_wait3A = arith.constant 256 : i32
      %dma_wait3A_21 = arith.constant 0 : i32
      %dma_wait3A_22 = tpu.memref_slice %arg9[%dma_wait3A, %dma_wait3A_21] : memref<1024x40xf32, #tpu.memory_space<hbm>> -> memref<256x40xf32, #tpu.memory_space<hbm>>
      %dma_wait3A_23 = arith.constant 0 : i32
      %dma_wait3A_24 = arith.constant 0 : i32
      %dma_wait3A_25 = tpu.memref_slice %arg9[%dma_wait3A_23, %dma_wait3A_24] : memref<1024x40xf32, #tpu.memory_space<hbm>> -> memref<256x40xf32, #tpu.memory_space<hbm>>
      tpu.wait_dma2 semaphore(%arg11 : memref<!tpu.dma_semaphore, #tpu.memory_space<semaphore_mem>>) src(%dma_wait3A_25 : memref<256x40xf32, #tpu.memory_space<hbm>>) dst(%dma_wait3A_22 : memref<256x40xf32, #tpu.memory_space<hbm>>)
    } else {
    }
    %eq3A_7 = arith.constant 0 : i32
    %eq3A_8 = arith.cmpi eq, %arg0, %eq3A_7 : i32
    %convert_element_type3A_9 = arith.extui %eq3A_8 : i1 to i32
    %cond3A_10 = arith.constant 0 : i32
    %cond3A_11 = arith.cmpi ne, %convert_element_type3A_9, %cond3A_10 : i32
    scf.if %cond3A_11 {
      "tpu.region"() ({
        %run_scoped3A = tpu.sem_alloc : memref<!tpu.dma_semaphore, #tpu.memory_space<semaphore_mem>>
        tpu.enqueue_dma source(%arg3 : memref<256xi32, #tpu.memory_space<hbm>>) target(%arg10 : memref<256xi32, #tpu.memory_space<smem>>) target_semaphore(%run_scoped3A : memref<!tpu.dma_semaphore, #tpu.memory_space<semaphore_mem>>)
        tpu.wait_dma2 semaphore(%run_scoped3A : memref<!tpu.dma_semaphore, #tpu.memory_space<semaphore_mem>>) src(%arg3 : memref<256xi32, #tpu.memory_space<hbm>>) dst(%arg10 : memref<256xi32, #tpu.memory_space<smem>>)
        tpu.yield
      }) : () -> ()
      %scan3A = arith.constant 0 : i32
      %scan3A_17 = arith.constant 256 : i32
      %scan3A_18 = arith.addi %scan3A, %scan3A_17 : i32
      %scan3A_19 = arith.constant 1 : i32
      scf.for %scan3A_26 = %scan3A to %scan3A_18 step %scan3A_19  : i32 {
        %mul3A = arith.constant 1 : i32
        %mul3A_27 = arith.muli %scan3A_26, %mul3A : i32
        %add3A = arith.constant 0 : i32
        %add3A_28 = arith.addi %add3A, %mul3A_27 : i32
        %get3A = arith.index_cast %add3A_28 : i32 to index
        %get3A_29 = memref.load %arg10[%get3A] : memref<256xi32, #tpu.memory_space<smem>>
        %add3A_30 = arith.constant 512 : i32
        %add3A_31 = arith.addi %add3A_30, %add3A_28 : i32
        %dma_start3A = arith.constant 0 : i32
        %dma_start3A_32 = tpu.memref_slice %arg9[%add3A_31, %dma_start3A] : memref<1024x40xf32, #tpu.memory_space<hbm>> -> memref<1x40xf32, #tpu.memory_space<hbm>>
        %dma_start3A_33 = arith.constant 0 : i32
        %dma_start3A_34 = tpu.memref_slice %arg7[%get3A_29, %dma_start3A_33] : memref<7x40xf32, #tpu.memory_space<hbm>> -> memref<1x40xf32, #tpu.memory_space<hbm>>
        tpu.enqueue_dma source(%dma_start3A_34 : memref<1x40xf32, #tpu.memory_space<hbm>>) target(%dma_start3A_32 : memref<1x40xf32, #tpu.memory_space<hbm>>) target_semaphore(%arg11 : memref<!tpu.dma_semaphore, #tpu.memory_space<semaphore_mem>>)
      }
      %scan3A_20 = arith.constant 256 : i32
      %dma_wait3A = arith.constant 512 : i32
      %dma_wait3A_21 = arith.constant 0 : i32
      %dma_wait3A_22 = tpu.memref_slice %arg9[%dma_wait3A, %dma_wait3A_21] : memref<1024x40xf32, #tpu.memory_space<hbm>> -> memref<256x40xf32, #tpu.memory_space<hbm>>
      %dma_wait3A_23 = arith.constant 0 : i32
      %dma_wait3A_24 = arith.constant 0 : i32
      %dma_wait3A_25 = tpu.memref_slice %arg9[%dma_wait3A_23, %dma_wait3A_24] : memref<1024x40xf32, #tpu.memory_space<hbm>> -> memref<256x40xf32, #tpu.memory_space<hbm>>
      tpu.wait_dma2 semaphore(%arg11 : memref<!tpu.dma_semaphore, #tpu.memory_space<semaphore_mem>>) src(%dma_wait3A_25 : memref<256x40xf32, #tpu.memory_space<hbm>>) dst(%dma_wait3A_22 : memref<256x40xf32, #tpu.memory_space<hbm>>)
    } else {
    }
    %eq3A_12 = arith.constant 1 : i32
    %eq3A_13 = arith.cmpi eq, %arg0, %eq3A_12 : i32
    %convert_element_type3A_14 = arith.extui %eq3A_13 : i1 to i32
    %cond3A_15 = arith.constant 0 : i32
    %cond3A_16 = arith.cmpi ne, %convert_element_type3A_14, %cond3A_15 : i32
    scf.if %cond3A_16 {
      "tpu.region"() ({
        %run_scoped3A = tpu.sem_alloc : memref<!tpu.dma_semaphore, #tpu.memory_space<semaphore_mem>>
        tpu.enqueue_dma source(%arg4 : memref<256xi32, #tpu.memory_space<hbm>>) target(%arg10 : memref<256xi32, #tpu.memory_space<smem>>) target_semaphore(%run_scoped3A : memref<!tpu.dma_semaphore, #tpu.memory_space<semaphore_mem>>)
        tpu.wait_dma2 semaphore(%run_scoped3A : memref<!tpu.dma_semaphore, #tpu.memory_space<semaphore_mem>>) src(%arg4 : memref<256xi32, #tpu.memory_space<hbm>>) dst(%arg10 : memref<256xi32, #tpu.memory_space<smem>>)
        tpu.yield
      }) : () -> ()
      %scan3A = arith.constant 0 : i32
      %scan3A_17 = arith.constant 256 : i32
      %scan3A_18 = arith.addi %scan3A, %scan3A_17 : i32
      %scan3A_19 = arith.constant 1 : i32
      scf.for %scan3A_26 = %scan3A to %scan3A_18 step %scan3A_19  : i32 {
        %mul3A = arith.constant 1 : i32
        %mul3A_27 = arith.muli %scan3A_26, %mul3A : i32
        %add3A = arith.constant 0 : i32
        %add3A_28 = arith.addi %add3A, %mul3A_27 : i32
        %get3A = arith.index_cast %add3A_28 : i32 to index
        %get3A_29 = memref.load %arg10[%get3A] : memref<256xi32, #tpu.memory_space<smem>>
        %add3A_30 = arith.constant 768 : i32
        %add3A_31 = arith.addi %add3A_30, %add3A_28 : i32
        %dma_start3A = arith.constant 0 : i32
        %dma_start3A_32 = tpu.memref_slice %arg9[%add3A_31, %dma_start3A] : memref<1024x40xf32, #tpu.memory_space<hbm>> -> memref<1x40xf32, #tpu.memory_space<hbm>>
        %dma_start3A_33 = arith.constant 0 : i32
        %dma_start3A_34 = tpu.memref_slice %arg8[%get3A_29, %dma_start3A_33] : memref<24x40xf32, #tpu.memory_space<hbm>> -> memref<1x40xf32, #tpu.memory_space<hbm>>
        tpu.enqueue_dma source(%dma_start3A_34 : memref<1x40xf32, #tpu.memory_space<hbm>>) target(%dma_start3A_32 : memref<1x40xf32, #tpu.memory_space<hbm>>) target_semaphore(%arg11 : memref<!tpu.dma_semaphore, #tpu.memory_space<semaphore_mem>>)
      }
      %scan3A_20 = arith.constant 256 : i32
      %dma_wait3A = arith.constant 768 : i32
      %dma_wait3A_21 = arith.constant 0 : i32
      %dma_wait3A_22 = tpu.memref_slice %arg9[%dma_wait3A, %dma_wait3A_21] : memref<1024x40xf32, #tpu.memory_space<hbm>> -> memref<256x40xf32, #tpu.memory_space<hbm>>
      %dma_wait3A_23 = arith.constant 0 : i32
      %dma_wait3A_24 = arith.constant 0 : i32
      %dma_wait3A_25 = tpu.memref_slice %arg9[%dma_wait3A_23, %dma_wait3A_24] : memref<1024x40xf32, #tpu.memory_space<hbm>> -> memref<256x40xf32, #tpu.memory_space<hbm>>
      tpu.wait_dma2 semaphore(%arg11 : memref<!tpu.dma_semaphore, #tpu.memory_space<semaphore_mem>>) src(%dma_wait3A_25 : memref<256x40xf32, #tpu.memory_space<hbm>>) dst(%dma_wait3A_22 : memref<256x40xf32, #tpu.memory_space<hbm>>)
    } else {
    }
    return
  }
}

module attributes {stable_mosaic.version = 14 : i64} {
  func.func @_tc_gather_body(%arg0: memref<512xi32, #tpu.memory_space<smem>>, %arg1: memref<512x1xi32, #tpu.memory_space<vmem>>, %arg2: memref<40x1000000xf32, #tpu.memory_space<any>>, %arg3: memref<40x100000xf32, #tpu.memory_space<any>>, %arg4: memref<512x40xf32, #tpu.memory_space<vmem>>, %arg5: memref<512x40x128xf32, #tpu.memory_space<vmem>>, %arg6: memref<!tpu.dma_semaphore, #tpu.memory_space<semaphore_mem>>) attributes {dimension_semantics = [], scalar_prefetch = 0 : i64, scratch_operands = 2 : i64, tpu.core_type = #tpu.core_type<tc>} {
    %scan3A = arith.constant 0 : i32
    %scan3A_0 = arith.constant 256 : i32
    %scan3A_1 = arith.addi %scan3A, %scan3A_0 : i32
    %scan3A_2 = arith.constant 1 : i32
    scf.for %scan3A_26 = %scan3A to %scan3A_1 step %scan3A_2  : i32 {
      %get3A_27 = arith.index_cast %scan3A_26 : i32 to index
      %get3A_28 = memref.load %arg0[%get3A_27] : memref<512xi32, #tpu.memory_space<smem>>
      %multiple_of3A = tpu.assume_multiple %get3A_28, 128 : i32
      %dma_start3A = arith.constant 0 : i32
      %dma_start3A_29 = arith.constant 0 : i32
      %dma_start3A_30 = tpu.memref_slice %arg5[%scan3A_26, %dma_start3A, %dma_start3A_29] : memref<512x40x128xf32, #tpu.memory_space<vmem>> -> memref<1x40x128xf32, #tpu.memory_space<vmem>>
      %dma_start3A_31 = tpu.memref_squeeze %dma_start3A_30 : memref<1x40x128xf32, #tpu.memory_space<vmem>> -> memref<40x128xf32, #tpu.memory_space<vmem>>
      %dma_start3A_32 = arith.constant 0 : i32
      %dma_start3A_33 = tpu.memref_slice %arg2[%dma_start3A_32, %multiple_of3A] : memref<40x1000000xf32, #tpu.memory_space<any>> -> memref<40x128xf32, #tpu.memory_space<any>>
      tpu.enqueue_dma source(%dma_start3A_33 : memref<40x128xf32, #tpu.memory_space<any>>) target(%dma_start3A_31 : memref<40x128xf32, #tpu.memory_space<vmem>>) target_semaphore(%arg6 : memref<!tpu.dma_semaphore, #tpu.memory_space<semaphore_mem>>)
    }
    %scan3A_3 = arith.constant 256 : i32
    %scan3A_4 = arith.constant 256 : i32
    %scan3A_5 = arith.constant 256 : i32
    %scan3A_6 = arith.addi %scan3A_4, %scan3A_5 : i32
    %scan3A_7 = arith.constant 1 : i32
    scf.for %scan3A_26 = %scan3A_4 to %scan3A_6 step %scan3A_7  : i32 {
      %get3A_27 = arith.index_cast %scan3A_26 : i32 to index
      %get3A_28 = memref.load %arg0[%get3A_27] : memref<512xi32, #tpu.memory_space<smem>>
      %multiple_of3A = tpu.assume_multiple %get3A_28, 128 : i32
      %dma_start3A = arith.constant 0 : i32
      %dma_start3A_29 = arith.constant 0 : i32
      %dma_start3A_30 = tpu.memref_slice %arg5[%scan3A_26, %dma_start3A, %dma_start3A_29] : memref<512x40x128xf32, #tpu.memory_space<vmem>> -> memref<1x40x128xf32, #tpu.memory_space<vmem>>
      %dma_start3A_31 = tpu.memref_squeeze %dma_start3A_30 : memref<1x40x128xf32, #tpu.memory_space<vmem>> -> memref<40x128xf32, #tpu.memory_space<vmem>>
      %dma_start3A_32 = arith.constant 0 : i32
      %dma_start3A_33 = tpu.memref_slice %arg3[%dma_start3A_32, %multiple_of3A] : memref<40x100000xf32, #tpu.memory_space<any>> -> memref<40x128xf32, #tpu.memory_space<any>>
      tpu.enqueue_dma source(%dma_start3A_33 : memref<40x128xf32, #tpu.memory_space<any>>) target(%dma_start3A_31 : memref<40x128xf32, #tpu.memory_space<vmem>>) target_semaphore(%arg6 : memref<!tpu.dma_semaphore, #tpu.memory_space<semaphore_mem>>)
    }
    %scan3A_8 = arith.constant 256 : i32
    %scan3A_9 = arith.constant 0 : i32
    %scan3A_10 = arith.constant 512 : i32
    %scan3A_11 = arith.addi %scan3A_9, %scan3A_10 : i32
    %scan3A_12 = arith.constant 1 : i32
    scf.for %scan3A_26 = %scan3A_9 to %scan3A_11 step %scan3A_12  : i32 {
      %dma_wait3A = arith.constant 0 : i32
      %dma_wait3A_27 = arith.constant 0 : i32
      %dma_wait3A_28 = tpu.memref_slice %arg5[%scan3A_26, %dma_wait3A, %dma_wait3A_27] : memref<512x40x128xf32, #tpu.memory_space<vmem>> -> memref<1x40x128xf32, #tpu.memory_space<vmem>>
      %dma_wait3A_29 = tpu.memref_squeeze %dma_wait3A_28 : memref<1x40x128xf32, #tpu.memory_space<vmem>> -> memref<40x128xf32, #tpu.memory_space<vmem>>
      %dma_wait3A_30 = arith.constant 0 : i32
      %dma_wait3A_31 = arith.constant 0 : i32
      %dma_wait3A_32 = tpu.memref_slice %arg2[%dma_wait3A_30, %dma_wait3A_31] : memref<40x1000000xf32, #tpu.memory_space<any>> -> memref<40x128xf32, #tpu.memory_space<any>>
      tpu.wait_dma2 semaphore(%arg6 : memref<!tpu.dma_semaphore, #tpu.memory_space<semaphore_mem>>) src(%dma_wait3A_32 : memref<40x128xf32, #tpu.memory_space<any>>) dst(%dma_wait3A_29 : memref<40x128xf32, #tpu.memory_space<vmem>>)
    }
    %scan3A_13 = arith.constant 512 : i32
    %iota3A = tpu.iota {dimensions = array<i32: 1>} : vector<512x128xi32>
    %get3A = arith.constant 0 : index
    %get3A_14 = arith.constant 0 : index
    %get3A_15 = vector.load %arg1[%get3A, %get3A_14] : memref<512x1xi32, #tpu.memory_space<vmem>>, vector<512x1xi32>
    %eq3A = vector.broadcast %get3A_15 : vector<512x1xi32> to vector<512x128xi32>
    %eq3A_16 = arith.cmpi eq, %iota3A, %eq3A : vector<512x128xi32>
    %convert_element_type3A = arith.extui %eq3A_16 : vector<512x128xi1> to vector<512x128xi32>
    %convert_element_type3A_17 = arith.sitofp %convert_element_type3A : vector<512x128xi32> to vector<512x128xf32>
    %get3A_18 = arith.constant 0 : index
    %get3A_19 = arith.constant 0 : index
    %get3A_20 = arith.constant 0 : index
    %get3A_21 = vector.load %arg5[%get3A_18, %get3A_19, %get3A_20] : memref<512x40x128xf32, #tpu.memory_space<vmem>>, vector<512x40x128xf32>
    %broadcast_in_dim3A = vector.shape_cast %convert_element_type3A_17 : vector<512x128xf32> to vector<512x1x128xf32>
    %mul3A = vector.broadcast %broadcast_in_dim3A : vector<512x1x128xf32> to vector<512x40x128xf32>
    %mul3A_22 = arith.mulf %get3A_21, %mul3A : vector<512x40x128xf32>
    %reduce_sum3A = arith.constant dense<0.000000e+00> : vector<512x40xf32>
    %reduce_sum3A_23 = vector.multi_reduction <add>, %mul3A_22, %reduce_sum3A [2] : vector<512x40x128xf32> to vector<512x40xf32>
    %swap3A = arith.constant 0 : index
    %swap3A_24 = arith.constant 0 : index
    %swap3A_25 = vector.load %arg4[%swap3A, %swap3A_24] : memref<512x40xf32, #tpu.memory_space<vmem>>, vector<512x40xf32>
    tpu.vector_store %arg4[%swap3A, %swap3A_24], %reduce_sum3A_23 {strides = array<i32>} : memref<512x40xf32, #tpu.memory_space<vmem>>, vector<512x40xf32>,
    return
  }
}

module attributes {stable_mosaic.version = 14 : i64} {
  func.func @_mlp_body(%arg0: memref<512x40xf32, #tpu.memory_space<vmem>>, %arg1: memref<1024x40xf32, #tpu.memory_space<vmem>>, %arg2: memref<64x40xf32, #tpu.memory_space<vmem>>, %arg3: memref<32x40xf32, #tpu.memory_space<vmem>>, %arg4: memref<256x1xi32, #tpu.memory_space<vmem>>, %arg5: memref<256x1xi32, #tpu.memory_space<vmem>>, %arg6: memref<1024x40xf32, #tpu.memory_space<vmem>>, %arg7: memref<1x1024xf32, #tpu.memory_space<vmem>>, %arg8: memref<512x1024xf32, #tpu.memory_space<vmem>>, %arg9: memref<1x512xf32, #tpu.memory_space<vmem>>, %arg10: memref<256x512xf32, #tpu.memory_space<vmem>>, %arg11: memref<1x256xf32, #tpu.memory_space<vmem>>, %arg12: memref<256x1xf32, #tpu.memory_space<vmem>>, %arg13: memref<256x1xf32, #tpu.memory_space<vmem>>, %arg14: memref<1x2xf32, #tpu.memory_space<vmem>>, %arg15: memref<1x1xf32, #tpu.memory_space<vmem>>, %arg16: memref<1536x256xf32, #tpu.memory_space<vmem>>, %arg17: memref<256x256xf32, #tpu.memory_space<vmem>>) attributes {dimension_semantics = [], scalar_prefetch = 0 : i64, scratch_operands = 0 : i64, tpu.core_type = #tpu.core_type<tc>} {
    %get3A = arith.constant 0 : index
    %get3A_0 = arith.constant 0 : index
    %get3A_1 = vector.load %arg0[%get3A, %get3A_0] : memref<512x40xf32, #tpu.memory_space<vmem>>, vector<512x40xf32>
    %get3A_2 = arith.constant 0 : index
    %get3A_3 = arith.constant 0 : index
    %get3A_4 = vector.load %arg4[%get3A_2, %get3A_3] : memref<256x1xi32, #tpu.memory_space<vmem>>, vector<256x1xi32>
    %ge3A = arith.constant 0 : i32
    %ge3A_5 = vector.broadcast %ge3A : i32 to vector<256x1xi32>
    %ge3A_6 = arith.cmpi sge, %get3A_4, %ge3A_5 : vector<256x1xi32>
    %get3A_7 = arith.constant 0 : index
    %get3A_8 = arith.constant 0 : index
    %get3A_9 = vector.load %arg4[%get3A_7, %get3A_8] : memref<256x1xi32, #tpu.memory_space<vmem>>, vector<256x1xi32>
    %iota3A = tpu.iota {dimensions = array<i32: 1>} : vector<1x64xi32>
    %eq3A = vector.broadcast %iota3A : vector<1x64xi32> to vector<256x64xi32>
    %eq3A_10 = vector.broadcast %get3A_9 : vector<256x1xi32> to vector<256x64xi32>
    %eq3A_11 = arith.cmpi eq, %eq3A, %eq3A_10 : vector<256x64xi32>
    %convert_element_type3A = arith.extui %eq3A_11 : vector<256x64xi1> to vector<256x64xi32>
    %convert_element_type3A_12 = arith.sitofp %convert_element_type3A : vector<256x64xi32> to vector<256x64xf32>
    %convert_element_type3A_13 = arith.truncf %convert_element_type3A_12 : vector<256x64xf32> to vector<256x64xbf16>
    %get3A_14 = arith.constant 0 : index
    %get3A_15 = arith.constant 0 : index
    %get3A_16 = vector.load %arg2[%get3A_14, %get3A_15] : memref<64x40xf32, #tpu.memory_space<vmem>>, vector<64x40xf32>
    %convert_element_type3A_17 = arith.truncf %get3A_16 : vector<64x40xf32> to vector<64x40xbf16>
    %dot_general3A = arith.constant dense<0.000000e+00> : vector<256x40xf32>
    %dot_general3A_18 = tpu.matmul %convert_element_type3A_13, %convert_element_type3A_17, %dot_general3A {dimension_numbers = #tpu.dot_dimension_numbers<[1], [0], [0], [1], [0, 0, 1, 1], [], []>, transpose_lhs_hint = false} : vector<256x64xbf16>, vector<64x40xbf16>, vector<256x40xf32> -> vector<256x40xf32>
    %slice3A = vector.extract_strided_slice %get3A_1 {offsets = [0, 0], sizes = [256, 40], strides = [1, 1]} : vector<512x40xf32> to vector<256x40xf32>
    %broadcast_in_dim3A = vector.shape_cast %ge3A_6 : vector<256x1xi1> to vector<256x1xi1>
    %broadcast_in_dim3A_19 = vector.broadcast %broadcast_in_dim3A : vector<256x1xi1> to vector<256x40xi1>
    %select_n3A = arith.select %broadcast_in_dim3A_19, %dot_general3A_18, %slice3A : vector<256x40xi1>, vector<256x40xf32>
    %get3A_20 = arith.constant 0 : index
    %get3A_21 = arith.constant 0 : index
    %get3A_22 = vector.load %arg5[%get3A_20, %get3A_21] : memref<256x1xi32, #tpu.memory_space<vmem>>, vector<256x1xi32>
    %ge3A_23 = arith.constant 0 : i32
    %ge3A_24 = vector.broadcast %ge3A_23 : i32 to vector<256x1xi32>
    %ge3A_25 = arith.cmpi sge, %get3A_22, %ge3A_24 : vector<256x1xi32>
    %get3A_26 = arith.constant 0 : index
    %get3A_27 = arith.constant 0 : index
    %get3A_28 = vector.load %arg5[%get3A_26, %get3A_27] : memref<256x1xi32, #tpu.memory_space<vmem>>, vector<256x1xi32>
    %iota3A_29 = tpu.iota {dimensions = array<i32: 1>} : vector<1x32xi32>
    %eq3A_30 = vector.broadcast %iota3A_29 : vector<1x32xi32> to vector<256x32xi32>
    %eq3A_31 = vector.broadcast %get3A_28 : vector<256x1xi32> to vector<256x32xi32>
    %eq3A_32 = arith.cmpi eq, %eq3A_30, %eq3A_31 : vector<256x32xi32>
    %convert_element_type3A_33 = arith.extui %eq3A_32 : vector<256x32xi1> to vector<256x32xi32>
    %convert_element_type3A_34 = arith.sitofp %convert_element_type3A_33 : vector<256x32xi32> to vector<256x32xf32>
    %convert_element_type3A_35 = arith.truncf %convert_element_type3A_34 : vector<256x32xf32> to vector<256x32xbf16>
    %get3A_36 = arith.constant 0 : index
    %get3A_37 = arith.constant 0 : index
    %get3A_38 = vector.load %arg3[%get3A_36, %get3A_37] : memref<32x40xf32, #tpu.memory_space<vmem>>, vector<32x40xf32>
    %convert_element_type3A_39 = arith.truncf %get3A_38 : vector<32x40xf32> to vector<32x40xbf16>
    %dot_general3A_40 = arith.constant dense<0.000000e+00> : vector<256x40xf32>
    %dot_general3A_41 = tpu.matmul %convert_element_type3A_35, %convert_element_type3A_39, %dot_general3A_40 {dimension_numbers = #tpu.dot_dimension_numbers<[1], [0], [0], [1], [0, 0, 1, 1], [], []>, transpose_lhs_hint = false} : vector<256x32xbf16>, vector<32x40xbf16>, vector<256x40xf32> -> vector<256x40xf32>
    %slice3A_42 = vector.extract_strided_slice %get3A_1 {offsets = [256, 0], sizes = [256, 40], strides = [1, 1]} : vector<512x40xf32> to vector<256x40xf32>
    %broadcast_in_dim3A_43 = vector.shape_cast %ge3A_25 : vector<256x1xi1> to vector<256x1xi1>
    %broadcast_in_dim3A_44 = vector.broadcast %broadcast_in_dim3A_43 : vector<256x1xi1> to vector<256x40xi1>
    %select_n3A_45 = arith.select %broadcast_in_dim3A_44, %dot_general3A_41, %slice3A_42 : vector<256x40xi1>, vector<256x40xf32>
    %get3A_46 = arith.constant 0 : index
    %get3A_47 = arith.constant 0 : index
    %get3A_48 = vector.load %arg1[%get3A_46, %get3A_47] : memref<1024x40xf32, #tpu.memory_space<vmem>>, vector<1024x40xf32>
    %concatenate3A = tpu.concatenate %select_n3A, %select_n3A_45, %get3A_48 in 0 : vector<256x40xf32>, vector<256x40xf32>, vector<1024x40xf32> -> vector<1536x40xf32>
    %convert_element_type3A_49 = arith.truncf %concatenate3A : vector<1536x40xf32> to vector<1536x40xbf16>
    %get3A_50 = arith.constant 0 : index
    %get3A_51 = arith.constant 0 : index
    %get3A_52 = vector.load %arg6[%get3A_50, %get3A_51] : memref<1024x40xf32, #tpu.memory_space<vmem>>, vector<1024x40xf32>
    %convert_element_type3A_53 = arith.truncf %get3A_52 : vector<1024x40xf32> to vector<1024x40xbf16>
    %dot_general3A_54 = arith.constant dense<0.000000e+00> : vector<1536x1024xf32>
    %dot_general3A_55 = tpu.matmul %convert_element_type3A_49, %convert_element_type3A_53, %dot_general3A_54 {dimension_numbers = #tpu.dot_dimension_numbers<[1], [1], [0], [0], [0, 0, 1, 0], [], []>, transpose_lhs_hint = false} : vector<1536x40xbf16>, vector<1024x40xbf16>, vector<1536x1024xf32> -> vector<1536x1024xf32>
    %get3A_56 = arith.constant 0 : index
    %get3A_57 = arith.constant 0 : index
    %get3A_58 = vector.load %arg7[%get3A_56, %get3A_57] : memref<1x1024xf32, #tpu.memory_space<vmem>>, vector<1x1024xf32>
    %add3A = vector.broadcast %get3A_58 : vector<1x1024xf32> to vector<1536x1024xf32>
    %add3A_59 = arith.addf %dot_general3A_55, %add3A : vector<1536x1024xf32>
    %max3A = arith.constant 0.000000e+00 : f32
    %max3A_60 = vector.broadcast %max3A : f32 to vector<1536x1024xf32>
    %max3A_61 = arith.maximumf %add3A_59, %max3A_60 : vector<1536x1024xf32>
    %convert_element_type3A_62 = arith.truncf %max3A_61 : vector<1536x1024xf32> to vector<1536x1024xbf16>
    %get3A_63 = arith.constant 0 : index
    %get3A_64 = arith.constant 0 : index
    %get3A_65 = vector.load %arg8[%get3A_63, %get3A_64] : memref<512x1024xf32, #tpu.memory_space<vmem>>, vector<512x1024xf32>
    %convert_element_type3A_66 = arith.truncf %get3A_65 : vector<512x1024xf32> to vector<512x1024xbf16>
    %dot_general3A_67 = arith.constant dense<0.000000e+00> : vector<1536x512xf32>
    %dot_general3A_68 = tpu.matmul %convert_element_type3A_62, %convert_element_type3A_66, %dot_general3A_67 {dimension_numbers = #tpu.dot_dimension_numbers<[1], [1], [0], [0], [0, 0, 1, 0], [], []>, transpose_lhs_hint = false} : vector<1536x1024xbf16>, vector<512x1024xbf16>, vector<1536x512xf32> -> vector<1536x512xf32>
    %get3A_69 = arith.constant 0 : index
    %get3A_70 = arith.constant 0 : index
    %get3A_71 = vector.load %arg9[%get3A_69, %get3A_70] : memref<1x512xf32, #tpu.memory_space<vmem>>, vector<1x512xf32>
    %add3A_72 = vector.broadcast %get3A_71 : vector<1x512xf32> to vector<1536x512xf32>
    %add3A_73 = arith.addf %dot_general3A_68, %add3A_72 : vector<1536x512xf32>
    %max3A_74 = arith.constant 0.000000e+00 : f32
    %max3A_75 = vector.broadcast %max3A_74 : f32 to vector<1536x512xf32>
    %max3A_76 = arith.maximumf %add3A_73, %max3A_75 : vector<1536x512xf32>
    %convert_element_type3A_77 = arith.truncf %max3A_76 : vector<1536x512xf32> to vector<1536x512xbf16>
    %get3A_78 = arith.constant 0 : index
    %get3A_79 = arith.constant 0 : index
    %get3A_80 = vector.load %arg10[%get3A_78, %get3A_79] : memref<256x512xf32, #tpu.memory_space<vmem>>, vector<256x512xf32>
    %convert_element_type3A_81 = arith.truncf %get3A_80 : vector<256x512xf32> to vector<256x512xbf16>
    %dot_general3A_82 = arith.constant dense<0.000000e+00> : vector<1536x256xf32>
    %dot_general3A_83 = tpu.matmul %convert_element_type3A_77, %convert_element_type3A_81, %dot_general3A_82 {dimension_numbers = #tpu.dot_dimension_numbers<[1], [1], [0], [0], [0, 0, 1, 0], [], []>, transpose_lhs_hint = false} : vector<1536x512xbf16>, vector<256x512xbf16>, vector<1536x256xf32> -> vector<1536x256xf32>
    %get3A_84 = arith.constant 0 : index
    %get3A_85 = arith.constant 0 : index
    %get3A_86 = vector.load %arg11[%get3A_84, %get3A_85] : memref<1x256xf32, #tpu.memory_space<vmem>>, vector<1x256xf32>
    %add3A_87 = vector.broadcast %get3A_86 : vector<1x256xf32> to vector<1536x256xf32>
    %add3A_88 = arith.addf %dot_general3A_83, %add3A_87 : vector<1536x256xf32>
    %mul3A = arith.constant 5.000000e-01 : f32
    %mul3A_89 = vector.broadcast %mul3A : f32 to vector<1536x256xf32>
    %mul3A_90 = arith.mulf %mul3A_89, %add3A_88 : vector<1536x256xf32>
    %swap3A = arith.constant 0 : index
    %swap3A_91 = arith.constant 0 : index
    %swap3A_92 = vector.load %arg16[%swap3A, %swap3A_91] : memref<1536x256xf32, #tpu.memory_space<vmem>>, vector<1536x256xf32>
    tpu.vector_store %arg16[%swap3A, %swap3A_91], %mul3A_90 {strides = array<i32>} : memref<1536x256xf32, #tpu.memory_space<vmem>>, vector<1536x256xf32>,
    %get3A_93 = arith.constant 0 : index
    %get3A_94 = arith.constant 0 : index
    %get3A_95 = vector.load %arg14[%get3A_93, %get3A_94] : memref<1x2xf32, #tpu.memory_space<vmem>>, vector<1x2xf32>
    %convert_element_type3A_96 = arith.truncf %get3A_95 : vector<1x2xf32> to vector<1x2xbf16>
    %convert_element_type3A_97 = arith.extf %convert_element_type3A_96 : vector<1x2xbf16> to vector<1x2xf32>
    %get3A_98 = arith.constant 0 : index
    %get3A_99 = arith.constant 0 : index
    %get3A_100 = vector.load %arg12[%get3A_98, %get3A_99] : memref<256x1xf32, #tpu.memory_space<vmem>>, vector<256x1xf32>
    %convert_element_type3A_101 = arith.truncf %get3A_100 : vector<256x1xf32> to vector<256x1xbf16>
    %convert_element_type3A_102 = arith.extf %convert_element_type3A_101 : vector<256x1xbf16> to vector<256x1xf32>
    %get3A_103 = arith.constant 0 : index
    %get3A_104 = arith.constant 0 : index
    %get3A_105 = vector.load %arg13[%get3A_103, %get3A_104] : memref<256x1xf32, #tpu.memory_space<vmem>>, vector<256x1xf32>
    %convert_element_type3A_106 = arith.truncf %get3A_105 : vector<256x1xf32> to vector<256x1xbf16>
    %convert_element_type3A_107 = arith.extf %convert_element_type3A_106 : vector<256x1xbf16> to vector<256x1xf32>
    %slice3A_108 = vector.extract_strided_slice %convert_element_type3A_97 {offsets = [0, 0], sizes = [1, 1], strides = [1, 1]} : vector<1x2xf32> to vector<1x1xf32>
    %mul3A_109 = vector.broadcast %slice3A_108 : vector<1x1xf32> to vector<256x1xf32>
    %mul3A_110 = arith.mulf %convert_element_type3A_102, %mul3A_109 : vector<256x1xf32>
    %slice3A_111 = vector.extract_strided_slice %convert_element_type3A_97 {offsets = [0, 1], sizes = [1, 1], strides = [1, 1]} : vector<1x2xf32> to vector<1x1xf32>
    %mul3A_112 = vector.broadcast %slice3A_111 : vector<1x1xf32> to vector<256x1xf32>
    %mul3A_113 = arith.mulf %convert_element_type3A_107, %mul3A_112 : vector<256x1xf32>
    %add3A_114 = arith.addf %mul3A_110, %mul3A_113 : vector<256x1xf32>
    %get3A_115 = arith.constant 0 : index
    %get3A_116 = arith.constant 0 : index
    %get3A_117 = vector.load %arg15[%get3A_115, %get3A_116] : memref<1x1xf32, #tpu.memory_space<vmem>>, vector<1x1xf32>
    %add3A_118 = vector.broadcast %get3A_117 : vector<1x1xf32> to vector<256x1xf32>
    %add3A_119 = arith.addf %add3A_114, %add3A_118 : vector<256x1xf32>
    %broadcast_in_dim3A_120 = vector.shape_cast %add3A_119 : vector<256x1xf32> to vector<256x1xf32>
    %broadcast_in_dim3A_121 = vector.broadcast %broadcast_in_dim3A_120 : vector<256x1xf32> to vector<256x256xf32>
    %mul3A_122 = arith.constant 5.000000e-01 : f32
    %mul3A_123 = vector.broadcast %mul3A_122 : f32 to vector<256x256xf32>
    %mul3A_124 = arith.mulf %mul3A_123, %broadcast_in_dim3A_121 : vector<256x256xf32>
    %swap3A_125 = arith.constant 0 : index
    %swap3A_126 = arith.constant 0 : index
    %swap3A_127 = vector.load %arg17[%swap3A_125, %swap3A_126] : memref<256x256xf32, #tpu.memory_space<vmem>>, vector<256x256xf32>
    tpu.vector_store %arg17[%swap3A_125, %swap3A_126], %mul3A_124 {strides = array<i32>} : memref<256x256xf32, #tpu.memory_space<vmem>>, vector<256x256xf32>,
    return
  }
}

module attributes {stable_mosaic.version = 14 : i64} {
  func.func @_writer_body(%arg0: i32, %arg1: memref<48x256xf32, #tpu.memory_space<vmem>>, %arg2: memref<256x256xf32, #tpu.memory_space<vmem>>, %arg3: memref<48x256x256xf32, #tpu.memory_space<vmem>>) attributes {dimension_semantics = [#tpu.dimension_semantics<arbitrary>], iteration_bounds = array<i64: 32>, scalar_prefetch = 0 : i64, scratch_operands = 0 : i64, tpu.core_type = #tpu.core_type<tc>, window_params = [{transform_indices = @transform_0, window_bounds = array<i64: 48, 256>}, {pipeline_mode = #tpu.pipeline_mode<synchronous>, transform_indices = @transform_1, window_bounds = array<i64: 256, 256>}, {transform_indices = @transform_2, window_bounds = array<i64: 48, 256, 256>}]} {
    %get3A = arith.constant 0 : index
    %get3A_0 = arith.constant 0 : index
    %get3A_1 = vector.load %arg1[%get3A, %get3A_0] : memref<48x256xf32, #tpu.memory_space<vmem>>, vector<48x256xf32>
    %broadcast_in_dim3A = vector.shape_cast %get3A_1 : vector<48x256xf32> to vector<48x1x256xf32>
    %get3A_2 = arith.constant 0 : index
    %get3A_3 = arith.constant 0 : index
    %get3A_4 = vector.load %arg2[%get3A_2, %get3A_3] : memref<256x256xf32, #tpu.memory_space<vmem>>, vector<256x256xf32>
    %broadcast_in_dim3A_5 = vector.shape_cast %get3A_4 : vector<256x256xf32> to vector<1x256x256xf32>
    %add3A = vector.broadcast %broadcast_in_dim3A : vector<48x1x256xf32> to vector<48x256x256xf32>
    %add3A_6 = vector.broadcast %broadcast_in_dim3A_5 : vector<1x256x256xf32> to vector<48x256x256xf32>
    %add3A_7 = arith.addf %add3A, %add3A_6 : vector<48x256x256xf32>
    %tanh3A = math.tanh %add3A_7 : vector<48x256x256xf32>
    %mul3A = arith.constant 5.000000e-01 : f32
    %mul3A_8 = vector.broadcast %mul3A : f32 to vector<48x256x256xf32>
    %mul3A_9 = arith.mulf %mul3A_8, %tanh3A : vector<48x256x256xf32>
    %add3A_10 = arith.constant 5.000000e-01 : f32
    %add3A_11 = vector.broadcast %add3A_10 : f32 to vector<48x256x256xf32>
    %add3A_12 = arith.addf %mul3A_9, %add3A_11 : vector<48x256x256xf32>
    %swap3A = arith.constant 0 : index
    %swap3A_13 = arith.constant 0 : index
    %swap3A_14 = arith.constant 0 : index
    %swap3A_15 = vector.load %arg3[%swap3A, %swap3A_13, %swap3A_14] : memref<48x256x256xf32, #tpu.memory_space<vmem>>, vector<48x256x256xf32>
    tpu.vector_store %arg3[%swap3A, %swap3A_13, %swap3A_14], %add3A_12 {strides = array<i32>} : memref<48x256x256xf32, #tpu.memory_space<vmem>>, vector<48x256x256xf32>,
    return
  }
  func.func @transform_0(%arg0: i32) -> (i32, i32) {
    %c0_i32 = arith.constant 0 : i32
    %c0_i32_0 = arith.constant 0 : i32
    return %arg0, %c0_i32 : i32, i32
  }
  func.func @transform_1(%arg0: i32) -> (i32, i32) {
    %c0_i32 = arith.constant 0 : i32
    %c0_i32_0 = arith.constant 0 : i32
    %c0_i32_1 = arith.constant 0 : i32
    return %c0_i32, %c0_i32_0 : i32, i32
  }
  func.func @transform_2(%arg0: i32) -> (i32, i32, i32) {
    %c0_i32 = arith.constant 0 : i32
    %c0_i32_0 = arith.constant 0 : i32
    %c0_i32_1 = arith.constant 0 : i32
    return %arg0, %c0_i32, %c0_i32_0 : i32, i32, i32
  }
}

</mosaic_0001>

<sc_bundles>
// kernel: kernel.6.cloned.1.call-start
scs
__scs_entry_jumppad:
0x0: {  	(pc) =	sbr.rel $0x88, $3  }
0x1: {  	(tag) =	ssettag $0x0;
	lr =	simm.s32 $0x1  }
0x2: {  	[smem:$0x3F8D] =	sst lr;
	_ =	strace $0xD0000000  }
0x3: {  	_ = 	snop  }
0x4: {  	_ = 	snop  }
0x5: {  	_ = 	snop  }
0x6: {  	_ = 	snop  }
0x7: {  	_ = 	snop  }
__scs_overlays_trampoline_lowered:
0x8: {  	[smem:$0x3F9C] =	sst s0  }
0x9: {  	[smem:$0x3F9D] =	sst s1  }
0xa: {  	[smem:$0x3F9E] =	sst s2  }
0xb: {  	[smem:$0x3F9F] =	sst s3  }
0xc: {  	[smem:$0x3FA0] =	sst s4  }
0xd: {  	[smem:$0x3FA1] =	sst s5  }
0xe: {  	[smem:$0x3FA2] =	sst s6  }
0xf: {  	[smem:$0x3FA3] =	sst s7  }
0x10: {  	[smem:$0x3FA4] =	sst s8  }
0x11: {  	[smem:$0x3FA5] =	sst s9;
	s0 =	simm.s32 @!p0 $0x0  }
0x12: {  	s1 =	sld [smem:$0x3F8B];
	s0 =	simm.s32 @p0 $0x1  }
0x13: {  	[smem:$0x3FA6] =	sst s0;
	s0 =	simm.s32 @!p1 $0x0  }
0x14: {  	s2 =	sld [smem:$0x3F8A];
	s0 =	simm.s32 @p1 $0x1  }
0x15: {  	[smem:$0x3FA7] =	sst s0;
	s0 =	simm.s32 @!p2 $0x0  }
0x16: {  	s3 =	sld [smem:$0x3FDB];
	s0 =	simm.s32 @p2 $0x1  }
0x17: {  	s4 =	simm.s32 $0x1BF5;
	[smem:$0x3FA9] =	sst s0  }
0x18: {  	s0 =	sld [smem:$0x3F8C];
	_ =	swait.ge [sflag:s4], $0x0  }
0x19: {  	s7 =	sld [smem:$0x3F8D]  }
0x1a: {  	s8 =	sadd.s32 $0xFFFFE003, lr  }
0x1b: {  	s9 =	sadd.s32 $0xFFFFFEF7, lr;
	s5 =	simm.s32 $0xFFFFFFFF;
	p2 =	slt.u32 s8, $0xFFFFF086  }
0x1c: {  	p1 =	slt.u32 s9, $0xF7A;
	s5 =	simm.s32 @!p2 $0x0  }
0x1d: {  	s5 =	simm.s32 @p1 $0x1;
	p0 =	seq.s32 s7, s2  }
0x1e: {  	s7 =	smul.u32 @!p0 $0xF7A, s2;
	p2 =	seq.s32 @!p0 s5, $0x0  }
0x1f: {  	s9 =	smul.u32 $0xF7A, s1;
	s8 =	simm.s32 @!p0 $0x1BF5;
	p2 =	por !p2, p0  }
0x20: {  	[sflag:s8] =	ssyncset.s32 @!p0 $0xFFFFF086;
	s6 =	sadd.s32 @!p0 s3, s7;
	s7 =	simm.s32 @!p0 $0x108  }
0x21: {  	s3 =	sadd.s32 s3, s9;
	s6 =	sadd.s32 @!p0 $0x88, s6;
	s7 =	simm.s32 @p2 $0x1082  }
0x22: {  	[simem:s7], [sflag:s8] =	dma.local @!p0 [hbm:s6], $0xF7A  }
0x23: {  	s9 =	sor.u32 $0xD0000000, s2;
	s6 =	simm.s32 $0x108;
	_ =	swait.ge @!p0 [sflag:s8], $0x0  }
0x24: {  	s3 =	sadd.s32 $0x88, s3;
	s6 =	simm.s32 @!p1 $0x1082;
	[sflag:s4] =	ssyncset.s32 $0xFFFFF086  }
0x25: {  	[simem:s6], [sflag:s4] =	dma.local [hbm:s3], $0xF7A  }
0x26: {  	[smem:$0x3F8D] =	sst s1;
	(tag) =	ssettag s2;
	_ =	strace s9  }
0x27: {  	s1 =	sld [smem:$0x3F9D]  }
0x28: {  	s2 =	sld [smem:$0x3F9E]  }
0x29: {  	s4 =	sld [smem:$0x3FA0]  }
0x2a: {  	p0 =	seq.s32 s5, $0x0;
	s5 =	sld [smem:$0x3FA1]  }
0x2b: {  	s6 =	sld [smem:$0x3FA2]  }
0x2c: {  	s7 =	sld [smem:$0x3FA3]  }
0x2d: {  	s3 =	simm.s32 $0x108;
	s8 =	sld [smem:$0x3FA4]  }
0x2e: {  	s3 =	simm.s32 @!p0 $0x1082;
	s9 =	sld [smem:$0x3FA5]  }
0x2f: {  	lr =	sadd.s32 s0, s3;
	s0 =	sld [smem:$0x3F9C]  }
0x30: {  	s3 =	sld [smem:$0x3F9F]  }
0x31: {  	[smem:$0x3FA8] =	sst s10  }
0x32: {  	s10 =	sld [smem:$0x3FA6];
	_ =	sdelay $0x3  }
0x33: {  	p0 =	seq.s32 s10, $0x1;
	s10 =	sld [smem:$0x3FA8];
	_ =	sdelay $0x3  }
0x34: {  	[smem:$0x3FA8] =	sst s10  }
0x35: {  	s10 =	sld [smem:$0x3FA7];
	_ =	sdelay $0x3  }
0x36: {  	p1 =	seq.s32 s10, $0x1;
	s10 =	sld [smem:$0x3FA8];
	_ =	sdelay $0x3  }
0x37: {  	[smem:$0x3FA8] =	sst s10  }
0x38: {  	s10 =	sld [smem:$0x3FA9]  }
0x39: {  	_ = 	snop;
	(pc) =	sbr.ind lr, $3  }
0x3a: {  	_ = 	snop  }
0x3b: {  	_ = 	snop  }
0x3c: {  	p2 =	seq.s32 s10, $0x1;
	s10 =	sld [smem:$0x3FA8]  }
0x3d: {  	_ =	shalt  }
0x3e: {  	_ =	shalt  }
0x3f: {  	_ =	shalt  }
0x40: {  	_ =	shalt  }
0x41: {  	_ =	shalt  }
0x42: {  	_ =	shalt  }
0x43: {  	_ =	shalt  }
0x44: {  	_ =	shalt  }
0x45: {  	_ =	shalt  }
0x46: {  	_ =	shalt  }
0x47: {  	_ =	shalt  }
0x48: {  	_ =	shalt  }
0x49: {  	_ =	shalt  }
0x4a: {  	_ =	shalt  }
0x4b: {  	_ =	shalt  }
0x4c: {  	_ =	shalt  }
0x4d: {  	_ =	shalt  }
0x4e: {  	_ =	shalt  }
0x4f: {  	_ =	shalt  }
0x50: {  	_ =	shalt  }
0x51: {  	_ =	shalt  }
0x52: {  	_ =	shalt  }
0x53: {  	_ =	shalt  }
0x54: {  	_ =	shalt  }
0x55: {  	_ =	shalt  }
0x56: {  	_ =	shalt  }
0x57: {  	_ =	shalt  }
0x58: {  	_ =	shalt  }
0x59: {  	_ =	shalt  }
0x5a: {  	_ =	shalt  }
0x5b: {  	_ =	shalt  }
0x5c: {  	_ =	shalt  }
0x5d: {  	_ =	shalt  }
0x5e: {  	_ =	shalt  }
0x5f: {  	_ =	shalt  }
0x60: {  	_ =	shalt  }
0x61: {  	_ =	shalt  }
0x62: {  	_ =	shalt  }
0x63: {  	_ =	shalt  }
0x64: {  	_ =	shalt  }
0x65: {  	_ =	shalt  }
0x66: {  	_ =	shalt  }
0x67: {  	_ =	shalt  }
0x68: {  	_ =	shalt  }
0x69: {  	_ =	shalt  }
0x6a: {  	_ =	shalt  }
0x6b: {  	_ =	shalt  }
0x6c: {  	_ =	shalt  }
0x6d: {  	_ =	shalt  }
0x6e: {  	_ =	shalt  }
0x6f: {  	_ =	shalt  }
0x70: {  	_ =	shalt  }
0x71: {  	_ =	shalt  }
0x72: {  	_ =	shalt  }
0x73: {  	_ =	shalt  }
0x74: {  	_ =	shalt  }
0x75: {  	_ =	shalt  }
0x76: {  	_ =	shalt  }
0x77: {  	_ =	shalt  }
0x78: {  	_ =	shalt  }
0x79: {  	_ =	shalt  }
0x7a: {  	_ =	shalt  }
0x7b: {  	_ =	shalt  }
0x7c: {  	_ =	shalt  }
0x7d: {  	_ =	shalt  }
0x7e: {  	_ =	shalt  }
0x7f: {  	_ =	shalt  }
0x80: {  	_ =	shalt  }
0x81: {  	_ =	shalt  }
0x82: {  	_ =	shalt  }
0x83: {  	_ =	shalt  }
0x84: {  	_ =	shalt  }
0x85: {  	_ =	shalt  }
0x86: {  	_ =	shalt  }
0x87: {  	_ =	shalt  }
.Lfunc_end0:
.L_simem_size_0:
called_computation_lowered:
.L_overlay_start_0:
0x88: {  	s2 =	sld [smem:$0x3FD9]  }
0x89: {  	s3 =	sld [smem:$0x3FFE];
	_ =	sdelay $0x1  }
0x8a: {  	s1 =	srdreg.scid  }
0x8b: {  	s0 =	sand.u32 $0x1, s1  }
0x8c: {  	s28 =	sshll.u32 s0, $0xA;
	s2 =	sadd.s32 s3, s2  }
0x8d: {  	s2 =	sadd.s32 s2, s28  }
0x8e: {  	s5 =	simm.s32 $0x0;
	[smem:$0x3FB4] =	sst s2  }
0x8f: {  	[smem:$0xF] =	sst s5  }
0x90: {  	s10 =	sld [smem:$0x3FC7]  }
0x91: {  	s11 =	sld [smem:$0x3FC6]  }
0x92: {  	s7 =	sld [smem:$0x3FC5]  }
0x93: {  	s6 =	sld [smem:$0x3FC4]  }
0x94: {  	s8 =	sld [smem:$0x3FC1]  }
0x95: {  	s9 =	sld [smem:$0x3FC0]  }
0x96: {  	s3 =	sld [smem:$0x3FBF]  }
0x97: {  	s4 =	sld [smem:$0x3FBE]  }
0x98: {  	s2 =	sld [smem:$0x3FD0];
	(tm) =	ssettm $0x1  }
0x99: {  	s29 =	sld [smem:$0x3FFB];
	_ =	sdelay $0x3  }
0x9a: {  	_ =	strace s29  }
0x9b: {  	s5 =	sld [smem:$0x3FFC];
	_ =	sdelay $0x3  }
0x9c: {  	_ =	strace s5  }
0x9d: {  	s5 =	sld [smem:$0x3FFD];
	_ =	sdelay $0x3  }
0x9e: {  	_ =	strace s5  }
0x9f: {  	s30 =	simm.s32 $0x1B8B;
	_ =	strace $0x8FFFFFFF  }
0xa0: {  	p0 =	seq.s32 s0, $0x1;
	_ =	swait.ge [sflag:s30], $0x1  }
.Ltmp0:
0xa1: {  	[sflag:s30] =	ssyncset.done $0x0;
	(pc) =	sbr.rel @p0 .LBB1_6-.Ltmp0, $3  }
0xa2: {  	s31 =	simm.s32 $0x1B8E;
	[sflag:s30] =	ssyncadd.s32 $0xFFFFFFFF  }
0xa3: {  	[smem:$0x3FD2] =	sst s31  }
0xa4: {  	s5 =	simm.s32 $0xA;
	_ =	strace $0x80000046  }
0xa5: {  	s4 =	simm.s32 $0x10  }
0xa6: {  	[smem:s4], [sflag:s5] =	dma.local [hbm:s10], $0x20  }
0xa7: {  	_ =	swait.ge [sflag:s5], $0x20  }
0xa8: {  	[sflag:s5] =	ssyncset.done $0x0  }
0xa9: {  	[sflag:s5] =	ssyncadd.s32 $0xFFFFFFE0  }
0xaa: {  	s31 =	sld [smem:$0x10];
	_ =	sdelay $0x3  }
0xab: {  	s4 =	sshll.u32 s31, $0x4  }
0xac: {  	s6 =	sand.u32 $0x1FFFFFF0, s4  }
0xad: {  	s4 =	simm.s32 $0x9;
	s6 =	sadd.s32 s8, s6  }
0xae: {  	[hbm:s2], [sflag:s4] =	dma.local [hbm:s6], $0x10  }
0xaf: {  	s9 =	simm.s32 $0x8;
	s6 =	smov.u32 s2;
	s10 =	sld [smem:$0x11]  }
.LBB1_2:
0xb0: {  	p0 =	sne.s32 s9, $0x3FC;
	_ =	sdelay $0x2  }
0xb1: {  	s10 =	sshll.u32 s10, $0x4  }
.Ltmp1:
0xb2: {  	s10 =	sand.u32 $0x1FFFFFF0, s10;
	(pc) =	sbr.rel @p0 .LBB1_2-.Ltmp1, $3  }
0xb3: {  	s11 =	sshra.s32 s9, $0x2;
	s6 =	sadd.s32 $0x10, s6;
	s10 =	sadd.s32 s8, s10  }
0xb4: {  	[hbm:s6], [sflag:s4] =	dma.local [hbm:s10], $0x10  }
0xb5: {  	s9 =	sadd.s32 $0x4, s9;
	s10 =	sld [smem:s11+$0x10]  }
0xb6: {  	_ =	sdelay $0x2  }
0xb7: {  	s9 =	sshll.u32 s10, $0x4  }
0xb8: {  	s9 =	sand.u32 $0x1FFFFFF0, s9  }
0xb9: {  	s6 =	sadd.s32 $0x10, s6;
	s29 =	simm.s32 $0x9;
	s8 =	sadd.s32 s8, s9  }
0xba: {  	[hbm:s6], [sflag:s4] =	dma.local [hbm:s8], $0x10  }
0xbb: {  	_ =	swait.ge [sflag:s29], $0x1000  }
0xbc: {  	[sflag:s29] =	ssyncset.done $0x0  }
0xbd: {  	[sflag:s29] =	ssyncadd.s32 $0xFFFFF000  }
0xbe: {  	s30 =	simm.s32 $0x10;
	s31 =	simm.s32 $0xA  }
0xbf: {  	[smem:s30], [sflag:s5] =	dma.local [hbm:s7], $0x20  }
0xc0: {  	_ =	swait.ge [sflag:s31], $0x20  }
0xc1: {  	[sflag:s31] =	ssyncset.done $0x0  }
0xc2: {  	[sflag:s31] =	ssyncadd.s32 $0xFFFFFFE0  }
0xc3: {  	s5 =	sld [smem:$0x10];
	_ =	sdelay $0x3  }
0xc4: {  	s5 =	sshll.u32 s5, $0x4  }
0xc5: {  	s5 =	sand.u32 $0x1FFFFFF0, s5  }
0xc6: {  	s2 =	sadd.s32 $0x2000, s2;
	s5 =	sadd.s32 s3, s5  }
0xc7: {  	[hbm:s2], [sflag:s4] =	dma.local [hbm:s5], $0x10  }
0xc8: {  	s5 =	simm.s32 $0x8;
	s6 =	sld [smem:$0x11]  }
.LBB1_4:
0xc9: {  	p0 =	seq.s32 s5, $0x3FC;
	_ =	sdelay $0x2  }
0xca: {  	s6 =	sshll.u32 s6, $0x4  }
.Ltmp2:
0xcb: {  	s6 =	sand.u32 $0x1FFFFFF0, s6;
	(pc) =	sbr.rel @!p0 .LBB1_4-.Ltmp2, $3  }
0xcc: {  	s7 =	sshra.s32 s5, $0x2;
	s2 =	sadd.s32 $0x10, s2;
	s6 =	sadd.s32 s3, s6  }
0xcd: {  	[hbm:s2], [sflag:s4] =	dma.local [hbm:s6], $0x10  }
0xce: {  	s5 =	sadd.s32 $0x4, s5;
	s6 =	sld [smem:s7+$0x10]  }
0xcf: {  	_ =	sdelay $0x2  }
.Ltmp3:
0xd0: {  	s5 =	sshll.u32 s6, $0x4;
	(pc) =	sbr.rel .LBB1_11-.Ltmp3, $3  }
0xd1: {  	s5 =	sand.u32 $0x1FFFFFF0, s5  }
0xd2: {  	s2 =	sadd.s32 $0x10, s2;
	s3 =	sadd.s32 s3, s5  }
0xd3: {  	[hbm:s2], [sflag:s4] =	dma.local [hbm:s3], $0x10  }
.LBB1_6:
0xd4: {  	s3 =	simm.s32 $0x10  }
0xd5: {  	[smem:s3], [sflag:s5] =	dma.local [hbm:s11], $0x20  }
0xd6: {  	_ =	swait.ge [sflag:s5], $0x20  }
0xd7: {  	[sflag:s5] =	ssyncset.done $0x0  }
0xd8: {  	[sflag:s5] =	ssyncadd.s32 $0xFFFFFFE0  }
0xd9: {  	s31 =	sld [smem:$0x10];
	_ =	sdelay $0x3  }
0xda: {  	s3 =	sshll.u32 s31, $0x4  }
0xdb: {  	s8 =	sand.u32 $0x1FFFFFF0, s3  }
0xdc: {  	s7 =	sadd.s32 $0x1000, s2;
	s3 =	simm.s32 $0x9;
	s8 =	sadd.s32 s9, s8  }
0xdd: {  	[hbm:s7], [sflag:s3] =	dma.local [hbm:s8], $0x10  }
0xde: {  	s8 =	simm.s32 $0x8;
	s10 =	sld [smem:$0x11]  }
.LBB1_7:
0xdf: {  	p0 =	seq.s32 s8, $0x3FC;
	_ =	sdelay $0x2  }
0xe0: {  	s10 =	sshll.u32 s10, $0x4  }
.Ltmp4:
0xe1: {  	s10 =	sand.u32 $0x1FFFFFF0, s10;
	(pc) =	sbr.rel @!p0 .LBB1_7-.Ltmp4, $3  }
0xe2: {  	s11 =	sshra.s32 s8, $0x2;
	s7 =	sadd.s32 $0x10, s7;
	s10 =	sadd.s32 s9, s10  }
0xe3: {  	[hbm:s7], [sflag:s3] =	dma.local [hbm:s10], $0x10  }
0xe4: {  	s8 =	sadd.s32 $0x4, s8;
	s10 =	sld [smem:s11+$0x10]  }
0xe5: {  	_ =	sdelay $0x2  }
0xe6: {  	s8 =	sshll.u32 s10, $0x4  }
0xe7: {  	s8 =	sand.u32 $0x1FFFFFF0, s8  }
0xe8: {  	s7 =	sadd.s32 $0x10, s7;
	s29 =	simm.s32 $0x9;
	s8 =	sadd.s32 s9, s8  }
0xe9: {  	[hbm:s7], [sflag:s3] =	dma.local [hbm:s8], $0x10  }
0xea: {  	_ =	swait.ge [sflag:s29], $0x1000  }
0xeb: {  	[sflag:s29] =	ssyncset.done $0x0  }
0xec: {  	[sflag:s29] =	ssyncadd.s32 $0xFFFFF000  }
0xed: {  	s30 =	simm.s32 $0x10;
	s31 =	simm.s32 $0xA  }
0xee: {  	[smem:s30], [sflag:s5] =	dma.local [hbm:s6], $0x20  }
0xef: {  	_ =	swait.ge [sflag:s31], $0x20  }
0xf0: {  	[sflag:s31] =	ssyncset.done $0x0  }
0xf1: {  	[sflag:s31] =	ssyncadd.s32 $0xFFFFFFE0  }
0xf2: {  	s5 =	sld [smem:$0x10];
	_ =	sdelay $0x3  }
0xf3: {  	s5 =	sshll.u32 s5, $0x4  }
0xf4: {  	s5 =	sand.u32 $0x1FFFFFF0, s5  }
0xf5: {  	s2 =	sadd.s32 $0x3000, s2;
	s5 =	sadd.s32 s4, s5  }
0xf6: {  	[hbm:s2], [sflag:s3] =	dma.local [hbm:s5], $0x10  }
0xf7: {  	s5 =	simm.s32 $0x8;
	s6 =	sld [smem:$0x11]  }
.LBB1_9:
0xf8: {  	p0 =	sne.s32 s5, $0x3FC;
	_ =	sdelay $0x2  }
0xf9: {  	s6 =	sshll.u32 s6, $0x4  }
.Ltmp5:
0xfa: {  	s6 =	sand.u32 $0x1FFFFFF0, s6;
	(pc) =	sbr.rel @p0 .LBB1_9-.Ltmp5, $3  }
0xfb: {  	s7 =	sshra.s32 s5, $0x2;
	s2 =	sadd.s32 $0x10, s2;
	s6 =	sadd.s32 s4, s6  }
0xfc: {  	[hbm:s2], [sflag:s3] =	dma.local [hbm:s6], $0x10  }
0xfd: {  	s5 =	sadd.s32 $0x4, s5;
	s6 =	sld [smem:s7+$0x10]  }
0xfe: {  	_ =	sdelay $0x2  }
0xff: {  	s5 =	sshll.u32 s6, $0x4  }
0x100: {  	s5 =	sand.u32 $0x1FFFFFF0, s5  }
0x101: {  	s2 =	sadd.s32 $0x10, s2;
	s4 =	sadd.s32 s4, s5  }
0x102: {  	[hbm:s2], [sflag:s3] =	dma.local [hbm:s4], $0x10  }
.LBB1_11:
0x103: {  	_ = 	snop  }
0x104: {  	s2 =	simm.s32 $0x9  }
0x105: {  	_ =	swait.ge [sflag:s2], $0x1000  }
0x106: {  	[sflag:s2] =	ssyncset.done $0x0  }
0x107: {  	[sflag:s2] =	ssyncadd.s32 $0xFFFFF000  }
0x108: {  	_ =	strace $0x90000046  }
0x109: {  	_ =	sfence  }
0x10a: {  	s29 =	sld [smem:$0x0];
	_ =	sdelay $0x2  }
0x10b: {  	s3 =	sshll.u32 s1, $0xD;
	s30 =	sshrl.u32 s1, $0x2  }
0x10c: {  	s31 =	sand.u32 $0x4000, s3;
	s1 =	sadd.s32 s30, s29  }
0x10d: {  	s0 =	sor.u32 s31, s0;
	s1 =	sshll.u32 s1, $0x11  }
0x10e: {  	s0 =	sor.u32 s1, s0  }
0x10f: {  	s0 =	sadd.s32 $0x8F2B, s0;
	(pc) =	sbr.abs _section_cstart, $3  }
0x110: {  	[sflag:s0] =	ssyncadd.remote.s32 $0x1  }
0x111: {  	_ =	strace $0x9FFFFFFF  }
0x112: {  	(tm) =	ssettm $0x7FFFFFFF  }
0x113: {  	_ =	shalt  }

</sc_bundles>
